<compile_context>
chip_gen: v7x
topology: tpu7x:2x2x1
jax: 0.10.2.dev20260603
libtpu: 0.0.44.dev20260713+nightly
codegen_flags: <defaults>
</compile_context>

<pallas_src>
import dataclasses
import functools

import jax
import jax.numpy as jnp
from jax import lax
from jax.experimental import pallas as pl
from jax.experimental.pallas import tpu as pltpu
from jax.experimental.pallas import tpu_sc as plsc

_NC = 2
_NS = 16
_NW = _NC * _NS
_L = 16


def _softmax_body(x_ref, psum_ref, acc_ref):
    i = pl.program_id(0)
    j = pl.program_id(1)

    @pl.when((i == 0) & (j == 0))
    def _():
        acc_ref[...] = jnp.zeros_like(acc_ref)

    x = x_ref[...]
    m = jnp.max(x, axis=0, keepdims=True)
    e = jnp.exp(x - m)
    r = 1.0 / jnp.sum(e, axis=0, keepdims=True)
    acc_ref[...] += e * r

    @pl.when((i == pl.num_programs(0) - 1) & (j == pl.num_programs(1) - 1))
    def _():
        psum_ref[...] = jnp.sum(acc_ref[...], axis=1, keepdims=True)


def _softmax_psum(xT, num_experts):
    rows, seq = xT.shape
    batch = rows // num_experts
    blk = 4096
    return pl.pallas_call(
        _softmax_body,
        grid=(batch, seq // blk),
        in_specs=[pl.BlockSpec((num_experts, blk), lambda i, j: (i, j))],
        out_specs=pl.BlockSpec((num_experts, 1), lambda i, j: (0, 0)),
        out_shape=jax.ShapeDtypeStruct((num_experts, 1), jnp.float32),
        scratch_shapes=[pltpu.VMEM((num_experts, blk), jnp.float32)],
    )(xT)


def _sc_hist(idxT, num_experts):
    rows, width = idxT.shape
    rpw = rows // _NS
    vecs = width // _L
    mesh = plsc.VectorSubcoreMesh(core_axis_name="c", subcore_axis_name="s",
                                  num_cores=1)
    cp = pltpu.CompilerParams()
    if "needs_layout_passes" in pltpu.CompilerParams.__dataclass_fields__:
        cp = dataclasses.replace(cp, needs_layout_passes=False)

    @functools.partial(
        pl.kernel,
        mesh=mesh,
        compiler_params=cp,
        out_type=jax.ShapeDtypeStruct((_NS * _L * num_experts,), jnp.float32),
        scratch_types=[
            pltpu.VMEM((rpw * width,), jnp.int32),
            pltpu.VMEM((_L * num_experts,), jnp.float32),
            pltpu.SemaphoreType.DMA,
        ],
    )
    def hist_kernel(idx_hbm, out_hbm, idx_v, hist_v, sem):
        s = lax.axis_index("s")
        copies = [
            pltpu.async_copy(idx_hbm.at[s * rpw + r, pl.ds(0, width)],
                             idx_v.at[pl.ds(r * width, width)], sem)
            for r in range(rpw)
        ]

        zeros = jnp.zeros((_L,), jnp.float32)
        for j in range(num_experts):
            hist_v[pl.ds(j * _L, _L)] = zeros

        lane_off = lax.broadcasted_iota(jnp.int32, (_L,), 0) * num_experts
        ones = jnp.ones((_L,), jnp.float32)
        for c_ in copies:
            c_.wait()

        @pl.loop(0, rpw * vecs, step=8)
        def _(i):
            for j in range(8):
                e = idx_v[pl.ds((i + j) * _L, _L)]
                plsc.addupdate_scatter(hist_v, [lane_off + e], ones)

        pltpu.sync_copy(hist_v, out_hbm.at[pl.ds(s * _L * num_experts,
                                                 _L * num_experts)])

    return hist_kernel(idxT)


def _combine_body(psum_ref, cnt_ref, out_ref, *, inv_tokens, inv_assign,
                  num_experts):
    ne = int(num_experts)
    cnt = jnp.sum(cnt_ref[...], axis=0, keepdims=True)
    cnt64 = cnt[:, :ne] + cnt[:, ne:]
    avg_prob = psum_ref[...].T * inv_tokens
    frac = cnt64 * inv_assign
    out_ref[0] = 0.01 * num_experts * jnp.sum(frac * avg_prob)


def _combine(psum, cnt2d, tokens, total_assign):
    num_experts = psum.shape[0]
    body = functools.partial(
        _combine_body,
        inv_tokens=1.0 / tokens,
        inv_assign=1.0 / total_assign,
        num_experts=float(num_experts),
    )
    return pl.pallas_call(
        body,
        out_specs=pl.BlockSpec(memory_space=pltpu.SMEM),
        out_shape=jax.ShapeDtypeStruct((1,), jnp.float32),
    )(psum, cnt2d)


def kernel(router_logits, expert_indices):
    batch, seq, num_experts = router_logits.shape
    k = expert_indices.shape[-1]
    tokens = batch * seq
    total_assign = tokens * k

    xT = jnp.transpose(router_logits, (0, 2, 1)).reshape(batch * num_experts,
                                                         seq)
    idxT = jnp.transpose(expert_indices, (0, 2, 1)).reshape(
        batch * k, seq).astype(jnp.int32)

    psum = _softmax_psum(xT, num_experts)
    counts_flat = _sc_hist(idxT, num_experts)
    cnt2d = counts_flat.reshape(_NS * _L * num_experts // 128, 128)

    loss = _combine(psum, cnt2d, tokens, total_assign)
    return loss[0]

# --- scband reference (transcript-rebuilt; emitter-appended) ---
"""Pipeline reference for scband-load-balancing-loss-84464826843916 (READ-ONLY COPY).

The authoritative reference and input builder live on the scoring server;
editing this copy changes nothing except your own understanding.
"""

import jax, jax.numpy as jnp
import numpy as np

NUM_EXPERTS = 64
LOSS_WEIGHT = 0.01


def setup_inputs(seed: int = 0) -> dict:
    key = jax.random.key(seed)
    k1, k2 = jax.random.split(key)
    router_logits = jax.random.normal(k1, (4, 8192, 64), dtype=jnp.float32)
    expert_indices = jax.random.randint(k2, (4, 8192, 8), 0, 64, dtype=jnp.int64 if jax.config.read('jax_enable_x64') else jnp.int32)
    return {"router_logits": router_logits, "expert_indices": expert_indices}


def reference(router_logits, expert_indices):
    batch_size, seq_len, num_experts = router_logits.shape
    routing_probs = jax.nn.softmax(router_logits, axis=-1)
    expert_mask = jax.nn.one_hot(expert_indices, num_experts, dtype=jnp.float32)
    tokens_per_expert = expert_mask.sum(axis=(0, 1, 2))
    fraction_per_expert = tokens_per_expert / (batch_size * seq_len * expert_indices.shape[-1])
    avg_routing_prob = routing_probs.mean(axis=(0, 1))
    loss = NUM_EXPERTS * jnp.sum(fraction_per_expert * avg_routing_prob)
    return LOSS_WEIGHT * loss

if __name__ == "__main__":
    import jax
    _d = setup_inputs()
    print(jax.jit(kernel)(*tuple(_d.values())))

</pallas_src>

<mosaic_0001>
#map = affine_map<(d0, d1) -> (0, 0)>
#map1 = affine_map<(d0, d1) -> (0)>
module attributes {stable_mosaic.version = 14 : i64} {
  func.func @hist_kernel(%arg0: i32, %arg1: i32, %arg2: memref<32x8192xi32, #tpu.memory_space<hbm>>, %arg3: memref<16384xf32, #tpu.memory_space<hbm>>, %arg4: memref<16384xi32, #tpu.memory_space<vmem>>, %arg5: memref<1024xf32, #tpu.memory_space<vmem>>, %arg6: memref<!tpu.dma_semaphore, #tpu.memory_space<semaphore_mem>>) attributes {dimension_semantics = [#tpu.dimension_semantics<core_parallel>, #tpu.dimension_semantics<subcore_parallel>], iteration_bounds = array<i64: 1, 16>, scalar_prefetch = 0 : i64, scratch_operands = 3 : i64, tpu.core_type = #tpu.core_type<sc_vector_subcore>, window_params = [{transform_indices = #map}, {transform_indices = #map1}]} {
    %mul3A = arith.constant 2 : i32
    %mul3A_0 = arith.muli %arg1, %mul3A : i32
    %add3A = arith.constant 0 : i32
    %add3A_1 = arith.addi %mul3A_0, %add3A : i32
    %dma_start3A = arith.constant 0 : i32
    %dma_start3A_2 = tpu.memref_slice %arg4[%dma_start3A] : memref<16384xi32, #tpu.memory_space<vmem>> -> memref<8192xi32, #tpu.memory_space<vmem>>
    %dma_start3A_3 = arith.constant 0 : i32
    %dma_start3A_4 = tpu.memref_slice %arg2[%add3A_1, %dma_start3A_3] : memref<32x8192xi32, #tpu.memory_space<hbm>> -> memref<1x8192xi32, #tpu.memory_space<hbm>>
    %dma_start3A_5 = tpu.memref_squeeze %dma_start3A_4 : memref<1x8192xi32, #tpu.memory_space<hbm>> -> memref<8192xi32, #tpu.memory_space<hbm>>
    %dma_start3A_6 = arith.constant 0 : i32
    %dma_start3A_7 = tpu.memref_slice %arg4[%dma_start3A_6] : memref<16384xi32, #tpu.memory_space<vmem>> -> memref<8192xi32, #tpu.memory_space<vmem>>
    %dma_start3A_8 = arith.constant 0 : i32
    %dma_start3A_9 = tpu.memref_slice %arg2[%add3A_1, %dma_start3A_8] : memref<32x8192xi32, #tpu.memory_space<hbm>> -> memref<1x8192xi32, #tpu.memory_space<hbm>>
    %dma_start3A_10 = tpu.memref_squeeze %dma_start3A_9 : memref<1x8192xi32, #tpu.memory_space<hbm>> -> memref<8192xi32, #tpu.memory_space<hbm>>
    tpu.enqueue_dma source(%dma_start3A_10 : memref<8192xi32, #tpu.memory_space<hbm>>) target(%dma_start3A_7 : memref<8192xi32, #tpu.memory_space<vmem>>) target_semaphore(%arg6 : memref<!tpu.dma_semaphore, #tpu.memory_space<semaphore_mem>>)
    %mul3A_11 = arith.constant 2 : i32
    %mul3A_12 = arith.muli %arg1, %mul3A_11 : i32
    %add3A_13 = arith.constant 1 : i32
    %add3A_14 = arith.addi %mul3A_12, %add3A_13 : i32
    %dma_start3A_15 = arith.constant 8192 : i32
    %dma_start3A_16 = tpu.memref_slice %arg4[%dma_start3A_15] : memref<16384xi32, #tpu.memory_space<vmem>> -> memref<8192xi32, #tpu.memory_space<vmem>>
    %dma_start3A_17 = arith.constant 0 : i32
    %dma_start3A_18 = tpu.memref_slice %arg2[%add3A_14, %dma_start3A_17] : memref<32x8192xi32, #tpu.memory_space<hbm>> -> memref<1x8192xi32, #tpu.memory_space<hbm>>
    %dma_start3A_19 = tpu.memref_squeeze %dma_start3A_18 : memref<1x8192xi32, #tpu.memory_space<hbm>> -> memref<8192xi32, #tpu.memory_space<hbm>>
    %dma_start3A_20 = arith.constant 8192 : i32
    %dma_start3A_21 = tpu.memref_slice %arg4[%dma_start3A_20] : memref<16384xi32, #tpu.memory_space<vmem>> -> memref<8192xi32, #tpu.memory_space<vmem>>
    %dma_start3A_22 = arith.constant 0 : i32
    %dma_start3A_23 = tpu.memref_slice %arg2[%add3A_14, %dma_start3A_22] : memref<32x8192xi32, #tpu.memory_space<hbm>> -> memref<1x8192xi32, #tpu.memory_space<hbm>>
    %dma_start3A_24 = tpu.memref_squeeze %dma_start3A_23 : memref<1x8192xi32, #tpu.memory_space<hbm>> -> memref<8192xi32, #tpu.memory_space<hbm>>
    tpu.enqueue_dma source(%dma_start3A_24 : memref<8192xi32, #tpu.memory_space<hbm>>) target(%dma_start3A_21 : memref<8192xi32, #tpu.memory_space<vmem>>) target_semaphore(%arg6 : memref<!tpu.dma_semaphore, #tpu.memory_space<semaphore_mem>>)
    %broadcast_in_dim3A = arith.constant 0.000000e+00 : f32
    %broadcast_in_dim3A_25 = vector.broadcast %broadcast_in_dim3A : f32 to vector<16xf32>
    %swap3A = arith.constant 0 : index
    %swap3A_26 = tpu.vector_load %arg5[%swap3A] {strides = array<i32>} : memref<1024xf32, #tpu.memory_space<vmem>>, vector<16xf32>,
    tpu.vector_store %arg5[%swap3A], %broadcast_in_dim3A_25 {strides = array<i32>} : memref<1024xf32, #tpu.memory_space<vmem>>, vector<16xf32>,
    %swap3A_27 = arith.constant 16 : index
    %swap3A_28 = tpu.vector_load %arg5[%swap3A_27] {strides = array<i32>} : memref<1024xf32, #tpu.memory_space<vmem>>, vector<16xf32>,
    tpu.vector_store %arg5[%swap3A_27], %broadcast_in_dim3A_25 {strides = array<i32>} : memref<1024xf32, #tpu.memory_space<vmem>>, vector<16xf32>,
    %swap3A_29 = arith.constant 32 : index
    %swap3A_30 = tpu.vector_load %arg5[%swap3A_29] {strides = array<i32>} : memref<1024xf32, #tpu.memory_space<vmem>>, vector<16xf32>,
    tpu.vector_store %arg5[%swap3A_29], %broadcast_in_dim3A_25 {strides = array<i32>} : memref<1024xf32, #tpu.memory_space<vmem>>, vector<16xf32>,
    %swap3A_31 = arith.constant 48 : index
    %swap3A_32 = tpu.vector_load %arg5[%swap3A_31] {strides = array<i32>} : memref<1024xf32, #tpu.memory_space<vmem>>, vector<16xf32>,
    tpu.vector_store %arg5[%swap3A_31], %broadcast_in_dim3A_25 {strides = array<i32>} : memref<1024xf32, #tpu.memory_space<vmem>>, vector<16xf32>,
    %swap3A_33 = arith.constant 64 : index
    %swap3A_34 = tpu.vector_load %arg5[%swap3A_33] {strides = array<i32>} : memref<1024xf32, #tpu.memory_space<vmem>>, vector<16xf32>,
    tpu.vector_store %arg5[%swap3A_33], %broadcast_in_dim3A_25 {strides = array<i32>} : memref<1024xf32, #tpu.memory_space<vmem>>, vector<16xf32>,
    %swap3A_35 = arith.constant 80 : index
    %swap3A_36 = tpu.vector_load %arg5[%swap3A_35] {strides = array<i32>} : memref<1024xf32, #tpu.memory_space<vmem>>, vector<16xf32>,
    tpu.vector_store %arg5[%swap3A_35], %broadcast_in_dim3A_25 {strides = array<i32>} : memref<1024xf32, #tpu.memory_space<vmem>>, vector<16xf32>,
    %swap3A_37 = arith.constant 96 : index
    %swap3A_38 = tpu.vector_load %arg5[%swap3A_37] {strides = array<i32>} : memref<1024xf32, #tpu.memory_space<vmem>>, vector<16xf32>,
    tpu.vector_store %arg5[%swap3A_37], %broadcast_in_dim3A_25 {strides = array<i32>} : memref<1024xf32, #tpu.memory_space<vmem>>, vector<16xf32>,
    %swap3A_39 = arith.constant 112 : index
    %swap3A_40 = tpu.vector_load %arg5[%swap3A_39] {strides = array<i32>} : memref<1024xf32, #tpu.memory_space<vmem>>, vector<16xf32>,
    tpu.vector_store %arg5[%swap3A_39], %broadcast_in_dim3A_25 {strides = array<i32>} : memref<1024xf32, #tpu.memory_space<vmem>>, vector<16xf32>,
    %swap3A_41 = arith.constant 128 : index
    %swap3A_42 = tpu.vector_load %arg5[%swap3A_41] {strides = array<i32>} : memref<1024xf32, #tpu.memory_space<vmem>>, vector<16xf32>,
    tpu.vector_store %arg5[%swap3A_41], %broadcast_in_dim3A_25 {strides = array<i32>} : memref<1024xf32, #tpu.memory_space<vmem>>, vector<16xf32>,
    %swap3A_43 = arith.constant 144 : index
    %swap3A_44 = tpu.vector_load %arg5[%swap3A_43] {strides = array<i32>} : memref<1024xf32, #tpu.memory_space<vmem>>, vector<16xf32>,
    tpu.vector_store %arg5[%swap3A_43], %broadcast_in_dim3A_25 {strides = array<i32>} : memref<1024xf32, #tpu.memory_space<vmem>>, vector<16xf32>,
    %swap3A_45 = arith.constant 160 : index
    %swap3A_46 = tpu.vector_load %arg5[%swap3A_45] {strides = array<i32>} : memref<1024xf32, #tpu.memory_space<vmem>>, vector<16xf32>,
    tpu.vector_store %arg5[%swap3A_45], %broadcast_in_dim3A_25 {strides = array<i32>} : memref<1024xf32, #tpu.memory_space<vmem>>, vector<16xf32>,
    %swap3A_47 = arith.constant 176 : index
    %swap3A_48 = tpu.vector_load %arg5[%swap3A_47] {strides = array<i32>} : memref<1024xf32, #tpu.memory_space<vmem>>, vector<16xf32>,
    tpu.vector_store %arg5[%swap3A_47], %broadcast_in_dim3A_25 {strides = array<i32>} : memref<1024xf32, #tpu.memory_space<vmem>>, vector<16xf32>,
    %swap3A_49 = arith.constant 192 : index
    %swap3A_50 = tpu.vector_load %arg5[%swap3A_49] {strides = array<i32>} : memref<1024xf32, #tpu.memory_space<vmem>>, vector<16xf32>,
    tpu.vector_store %arg5[%swap3A_49], %broadcast_in_dim3A_25 {strides = array<i32>} : memref<1024xf32, #tpu.memory_space<vmem>>, vector<16xf32>,
    %swap3A_51 = arith.constant 208 : index
    %swap3A_52 = tpu.vector_load %arg5[%swap3A_51] {strides = array<i32>} : memref<1024xf32, #tpu.memory_space<vmem>>, vector<16xf32>,
    tpu.vector_store %arg5[%swap3A_51], %broadcast_in_dim3A_25 {strides = array<i32>} : memref<1024xf32, #tpu.memory_space<vmem>>, vector<16xf32>,
    %swap3A_53 = arith.constant 224 : index
    %swap3A_54 = tpu.vector_load %arg5[%swap3A_53] {strides = array<i32>} : memref<1024xf32, #tpu.memory_space<vmem>>, vector<16xf32>,
    tpu.vector_store %arg5[%swap3A_53], %broadcast_in_dim3A_25 {strides = array<i32>} : memref<1024xf32, #tpu.memory_space<vmem>>, vector<16xf32>,
    %swap3A_55 = arith.constant 240 : index
    %swap3A_56 = tpu.vector_load %arg5[%swap3A_55] {strides = array<i32>} : memref<1024xf32, #tpu.memory_space<vmem>>, vector<16xf32>,
    tpu.vector_store %arg5[%swap3A_55], %broadcast_in_dim3A_25 {strides = array<i32>} : memref<1024xf32, #tpu.memory_space<vmem>>, vector<16xf32>,
    %swap3A_57 = arith.constant 256 : index
    %swap3A_58 = tpu.vector_load %arg5[%swap3A_57] {strides = array<i32>} : memref<1024xf32, #tpu.memory_space<vmem>>, vector<16xf32>,
    tpu.vector_store %arg5[%swap3A_57], %broadcast_in_dim3A_25 {strides = array<i32>} : memref<1024xf32, #tpu.memory_space<vmem>>, vector<16xf32>,
    %swap3A_59 = arith.constant 272 : index
    %swap3A_60 = tpu.vector_load %arg5[%swap3A_59] {strides = array<i32>} : memref<1024xf32, #tpu.memory_space<vmem>>, vector<16xf32>,
    tpu.vector_store %arg5[%swap3A_59], %broadcast_in_dim3A_25 {strides = array<i32>} : memref<1024xf32, #tpu.memory_space<vmem>>, vector<16xf32>,
    %swap3A_61 = arith.constant 288 : index
    %swap3A_62 = tpu.vector_load %arg5[%swap3A_61] {strides = array<i32>} : memref<1024xf32, #tpu.memory_space<vmem>>, vector<16xf32>,
    tpu.vector_store %arg5[%swap3A_61], %broadcast_in_dim3A_25 {strides = array<i32>} : memref<1024xf32, #tpu.memory_space<vmem>>, vector<16xf32>,
    %swap3A_63 = arith.constant 304 : index
    %swap3A_64 = tpu.vector_load %arg5[%swap3A_63] {strides = array<i32>} : memref<1024xf32, #tpu.memory_space<vmem>>, vector<16xf32>,
    tpu.vector_store %arg5[%swap3A_63], %broadcast_in_dim3A_25 {strides = array<i32>} : memref<1024xf32, #tpu.memory_space<vmem>>, vector<16xf32>,
    %swap3A_65 = arith.constant 320 : index
    %swap3A_66 = tpu.vector_load %arg5[%swap3A_65] {strides = array<i32>} : memref<1024xf32, #tpu.memory_space<vmem>>, vector<16xf32>,
    tpu.vector_store %arg5[%swap3A_65], %broadcast_in_dim3A_25 {strides = array<i32>} : memref<1024xf32, #tpu.memory_space<vmem>>, vector<16xf32>,
    %swap3A_67 = arith.constant 336 : index
    %swap3A_68 = tpu.vector_load %arg5[%swap3A_67] {strides = array<i32>} : memref<1024xf32, #tpu.memory_space<vmem>>, vector<16xf32>,
    tpu.vector_store %arg5[%swap3A_67], %broadcast_in_dim3A_25 {strides = array<i32>} : memref<1024xf32, #tpu.memory_space<vmem>>, vector<16xf32>,
    %swap3A_69 = arith.constant 352 : index
    %swap3A_70 = tpu.vector_load %arg5[%swap3A_69] {strides = array<i32>} : memref<1024xf32, #tpu.memory_space<vmem>>, vector<16xf32>,
    tpu.vector_store %arg5[%swap3A_69], %broadcast_in_dim3A_25 {strides = array<i32>} : memref<1024xf32, #tpu.memory_space<vmem>>, vector<16xf32>,
    %swap3A_71 = arith.constant 368 : index
    %swap3A_72 = tpu.vector_load %arg5[%swap3A_71] {strides = array<i32>} : memref<1024xf32, #tpu.memory_space<vmem>>, vector<16xf32>,
    tpu.vector_store %arg5[%swap3A_71], %broadcast_in_dim3A_25 {strides = array<i32>} : memref<1024xf32, #tpu.memory_space<vmem>>, vector<16xf32>,
    %swap3A_73 = arith.constant 384 : index
    %swap3A_74 = tpu.vector_load %arg5[%swap3A_73] {strides = array<i32>} : memref<1024xf32, #tpu.memory_space<vmem>>, vector<16xf32>,
    tpu.vector_store %arg5[%swap3A_73], %broadcast_in_dim3A_25 {strides = array<i32>} : memref<1024xf32, #tpu.memory_space<vmem>>, vector<16xf32>,
    %swap3A_75 = arith.constant 400 : index
    %swap3A_76 = tpu.vector_load %arg5[%swap3A_75] {strides = array<i32>} : memref<1024xf32, #tpu.memory_space<vmem>>, vector<16xf32>,
    tpu.vector_store %arg5[%swap3A_75], %broadcast_in_dim3A_25 {strides = array<i32>} : memref<1024xf32, #tpu.memory_space<vmem>>, vector<16xf32>,
    %swap3A_77 = arith.constant 416 : index
    %swap3A_78 = tpu.vector_load %arg5[%swap3A_77] {strides = array<i32>} : memref<1024xf32, #tpu.memory_space<vmem>>, vector<16xf32>,
    tpu.vector_store %arg5[%swap3A_77], %broadcast_in_dim3A_25 {strides = array<i32>} : memref<1024xf32, #tpu.memory_space<vmem>>, vector<16xf32>,
    %swap3A_79 = arith.constant 432 : index
    %swap3A_80 = tpu.vector_load %arg5[%swap3A_79] {strides = array<i32>} : memref<1024xf32, #tpu.memory_space<vmem>>, vector<16xf32>,
    tpu.vector_store %arg5[%swap3A_79], %broadcast_in_dim3A_25 {strides = array<i32>} : memref<1024xf32, #tpu.memory_space<vmem>>, vector<16xf32>,
    %swap3A_81 = arith.constant 448 : index
    %swap3A_82 = tpu.vector_load %arg5[%swap3A_81] {strides = array<i32>} : memref<1024xf32, #tpu.memory_space<vmem>>, vector<16xf32>,
    tpu.vector_store %arg5[%swap3A_81], %broadcast_in_dim3A_25 {strides = array<i32>} : memref<1024xf32, #tpu.memory_space<vmem>>, vector<16xf32>,
    %swap3A_83 = arith.constant 464 : index
    %swap3A_84 = tpu.vector_load %arg5[%swap3A_83] {strides = array<i32>} : memref<1024xf32, #tpu.memory_space<vmem>>, vector<16xf32>,
    tpu.vector_store %arg5[%swap3A_83], %broadcast_in_dim3A_25 {strides = array<i32>} : memref<1024xf32, #tpu.memory_space<vmem>>, vector<16xf32>,
    %swap3A_85 = arith.constant 480 : index
    %swap3A_86 = tpu.vector_load %arg5[%swap3A_85] {strides = array<i32>} : memref<1024xf32, #tpu.memory_space<vmem>>, vector<16xf32>,
    tpu.vector_store %arg5[%swap3A_85], %broadcast_in_dim3A_25 {strides = array<i32>} : memref<1024xf32, #tpu.memory_space<vmem>>, vector<16xf32>,
    %swap3A_87 = arith.constant 496 : index
    %swap3A_88 = tpu.vector_load %arg5[%swap3A_87] {strides = array<i32>} : memref<1024xf32, #tpu.memory_space<vmem>>, vector<16xf32>,
    tpu.vector_store %arg5[%swap3A_87], %broadcast_in_dim3A_25 {strides = array<i32>} : memref<1024xf32, #tpu.memory_space<vmem>>, vector<16xf32>,
    %swap3A_89 = arith.constant 512 : index
    %swap3A_90 = tpu.vector_load %arg5[%swap3A_89] {strides = array<i32>} : memref<1024xf32, #tpu.memory_space<vmem>>, vector<16xf32>,
    tpu.vector_store %arg5[%swap3A_89], %broadcast_in_dim3A_25 {strides = array<i32>} : memref<1024xf32, #tpu.memory_space<vmem>>, vector<16xf32>,
    %swap3A_91 = arith.constant 528 : index
    %swap3A_92 = tpu.vector_load %arg5[%swap3A_91] {strides = array<i32>} : memref<1024xf32, #tpu.memory_space<vmem>>, vector<16xf32>,
    tpu.vector_store %arg5[%swap3A_91], %broadcast_in_dim3A_25 {strides = array<i32>} : memref<1024xf32, #tpu.memory_space<vmem>>, vector<16xf32>,
    %swap3A_93 = arith.constant 544 : index
    %swap3A_94 = tpu.vector_load %arg5[%swap3A_93] {strides = array<i32>} : memref<1024xf32, #tpu.memory_space<vmem>>, vector<16xf32>,
    tpu.vector_store %arg5[%swap3A_93], %broadcast_in_dim3A_25 {strides = array<i32>} : memref<1024xf32, #tpu.memory_space<vmem>>, vector<16xf32>,
    %swap3A_95 = arith.constant 560 : index
    %swap3A_96 = tpu.vector_load %arg5[%swap3A_95] {strides = array<i32>} : memref<1024xf32, #tpu.memory_space<vmem>>, vector<16xf32>,
    tpu.vector_store %arg5[%swap3A_95], %broadcast_in_dim3A_25 {strides = array<i32>} : memref<1024xf32, #tpu.memory_space<vmem>>, vector<16xf32>,
    %swap3A_97 = arith.constant 576 : index
    %swap3A_98 = tpu.vector_load %arg5[%swap3A_97] {strides = array<i32>} : memref<1024xf32, #tpu.memory_space<vmem>>, vector<16xf32>,
    tpu.vector_store %arg5[%swap3A_97], %broadcast_in_dim3A_25 {strides = array<i32>} : memref<1024xf32, #tpu.memory_space<vmem>>, vector<16xf32>,
    %swap3A_99 = arith.constant 592 : index
    %swap3A_100 = tpu.vector_load %arg5[%swap3A_99] {strides = array<i32>} : memref<1024xf32, #tpu.memory_space<vmem>>, vector<16xf32>,
    tpu.vector_store %arg5[%swap3A_99], %broadcast_in_dim3A_25 {strides = array<i32>} : memref<1024xf32, #tpu.memory_space<vmem>>, vector<16xf32>,
    %swap3A_101 = arith.constant 608 : index
    %swap3A_102 = tpu.vector_load %arg5[%swap3A_101] {strides = array<i32>} : memref<1024xf32, #tpu.memory_space<vmem>>, vector<16xf32>,
    tpu.vector_store %arg5[%swap3A_101], %broadcast_in_dim3A_25 {strides = array<i32>} : memref<1024xf32, #tpu.memory_space<vmem>>, vector<16xf32>,
    %swap3A_103 = arith.constant 624 : index
    %swap3A_104 = tpu.vector_load %arg5[%swap3A_103] {strides = array<i32>} : memref<1024xf32, #tpu.memory_space<vmem>>, vector<16xf32>,
    tpu.vector_store %arg5[%swap3A_103], %broadcast_in_dim3A_25 {strides = array<i32>} : memref<1024xf32, #tpu.memory_space<vmem>>, vector<16xf32>,
    %swap3A_105 = arith.constant 640 : index
    %swap3A_106 = tpu.vector_load %arg5[%swap3A_105] {strides = array<i32>} : memref<1024xf32, #tpu.memory_space<vmem>>, vector<16xf32>,
    tpu.vector_store %arg5[%swap3A_105], %broadcast_in_dim3A_25 {strides = array<i32>} : memref<1024xf32, #tpu.memory_space<vmem>>, vector<16xf32>,
    %swap3A_107 = arith.constant 656 : index
    %swap3A_108 = tpu.vector_load %arg5[%swap3A_107] {strides = array<i32>} : memref<1024xf32, #tpu.memory_space<vmem>>, vector<16xf32>,
    tpu.vector_store %arg5[%swap3A_107], %broadcast_in_dim3A_25 {strides = array<i32>} : memref<1024xf32, #tpu.memory_space<vmem>>, vector<16xf32>,
    %swap3A_109 = arith.constant 672 : index
    %swap3A_110 = tpu.vector_load %arg5[%swap3A_109] {strides = array<i32>} : memref<1024xf32, #tpu.memory_space<vmem>>, vector<16xf32>,
    tpu.vector_store %arg5[%swap3A_109], %broadcast_in_dim3A_25 {strides = array<i32>} : memref<1024xf32, #tpu.memory_space<vmem>>, vector<16xf32>,
    %swap3A_111 = arith.constant 688 : index
    %swap3A_112 = tpu.vector_load %arg5[%swap3A_111] {strides = array<i32>} : memref<1024xf32, #tpu.memory_space<vmem>>, vector<16xf32>,
    tpu.vector_store %arg5[%swap3A_111], %broadcast_in_dim3A_25 {strides = array<i32>} : memref<1024xf32, #tpu.memory_space<vmem>>, vector<16xf32>,
    %swap3A_113 = arith.constant 704 : index
    %swap3A_114 = tpu.vector_load %arg5[%swap3A_113] {strides = array<i32>} : memref<1024xf32, #tpu.memory_space<vmem>>, vector<16xf32>,
    tpu.vector_store %arg5[%swap3A_113], %broadcast_in_dim3A_25 {strides = array<i32>} : memref<1024xf32, #tpu.memory_space<vmem>>, vector<16xf32>,
    %swap3A_115 = arith.constant 720 : index
    %swap3A_116 = tpu.vector_load %arg5[%swap3A_115] {strides = array<i32>} : memref<1024xf32, #tpu.memory_space<vmem>>, vector<16xf32>,
    tpu.vector_store %arg5[%swap3A_115], %broadcast_in_dim3A_25 {strides = array<i32>} : memref<1024xf32, #tpu.memory_space<vmem>>, vector<16xf32>,
    %swap3A_117 = arith.constant 736 : index
    %swap3A_118 = tpu.vector_load %arg5[%swap3A_117] {strides = array<i32>} : memref<1024xf32, #tpu.memory_space<vmem>>, vector<16xf32>,
    tpu.vector_store %arg5[%swap3A_117], %broadcast_in_dim3A_25 {strides = array<i32>} : memref<1024xf32, #tpu.memory_space<vmem>>, vector<16xf32>,
    %swap3A_119 = arith.constant 752 : index
    %swap3A_120 = tpu.vector_load %arg5[%swap3A_119] {strides = array<i32>} : memref<1024xf32, #tpu.memory_space<vmem>>, vector<16xf32>,
    tpu.vector_store %arg5[%swap3A_119], %broadcast_in_dim3A_25 {strides = array<i32>} : memref<1024xf32, #tpu.memory_space<vmem>>, vector<16xf32>,
    %swap3A_121 = arith.constant 768 : index
    %swap3A_122 = tpu.vector_load %arg5[%swap3A_121] {strides = array<i32>} : memref<1024xf32, #tpu.memory_space<vmem>>, vector<16xf32>,
    tpu.vector_store %arg5[%swap3A_121], %broadcast_in_dim3A_25 {strides = array<i32>} : memref<1024xf32, #tpu.memory_space<vmem>>, vector<16xf32>,
    %swap3A_123 = arith.constant 784 : index
    %swap3A_124 = tpu.vector_load %arg5[%swap3A_123] {strides = array<i32>} : memref<1024xf32, #tpu.memory_space<vmem>>, vector<16xf32>,
    tpu.vector_store %arg5[%swap3A_123], %broadcast_in_dim3A_25 {strides = array<i32>} : memref<1024xf32, #tpu.memory_space<vmem>>, vector<16xf32>,
    %swap3A_125 = arith.constant 800 : index
    %swap3A_126 = tpu.vector_load %arg5[%swap3A_125] {strides = array<i32>} : memref<1024xf32, #tpu.memory_space<vmem>>, vector<16xf32>,
    tpu.vector_store %arg5[%swap3A_125], %broadcast_in_dim3A_25 {strides = array<i32>} : memref<1024xf32, #tpu.memory_space<vmem>>, vector<16xf32>,
    %swap3A_127 = arith.constant 816 : index
    %swap3A_128 = tpu.vector_load %arg5[%swap3A_127] {strides = array<i32>} : memref<1024xf32, #tpu.memory_space<vmem>>, vector<16xf32>,
    tpu.vector_store %arg5[%swap3A_127], %broadcast_in_dim3A_25 {strides = array<i32>} : memref<1024xf32, #tpu.memory_space<vmem>>, vector<16xf32>,
    %swap3A_129 = arith.constant 832 : index
    %swap3A_130 = tpu.vector_load %arg5[%swap3A_129] {strides = array<i32>} : memref<1024xf32, #tpu.memory_space<vmem>>, vector<16xf32>,
    tpu.vector_store %arg5[%swap3A_129], %broadcast_in_dim3A_25 {strides = array<i32>} : memref<1024xf32, #tpu.memory_space<vmem>>, vector<16xf32>,
    %swap3A_131 = arith.constant 848 : index
    %swap3A_132 = tpu.vector_load %arg5[%swap3A_131] {strides = array<i32>} : memref<1024xf32, #tpu.memory_space<vmem>>, vector<16xf32>,
    tpu.vector_store %arg5[%swap3A_131], %broadcast_in_dim3A_25 {strides = array<i32>} : memref<1024xf32, #tpu.memory_space<vmem>>, vector<16xf32>,
    %swap3A_133 = arith.constant 864 : index
    %swap3A_134 = tpu.vector_load %arg5[%swap3A_133] {strides = array<i32>} : memref<1024xf32, #tpu.memory_space<vmem>>, vector<16xf32>,
    tpu.vector_store %arg5[%swap3A_133], %broadcast_in_dim3A_25 {strides = array<i32>} : memref<1024xf32, #tpu.memory_space<vmem>>, vector<16xf32>,
    %swap3A_135 = arith.constant 880 : index
    %swap3A_136 = tpu.vector_load %arg5[%swap3A_135] {strides = array<i32>} : memref<1024xf32, #tpu.memory_space<vmem>>, vector<16xf32>,
    tpu.vector_store %arg5[%swap3A_135], %broadcast_in_dim3A_25 {strides = array<i32>} : memref<1024xf32, #tpu.memory_space<vmem>>, vector<16xf32>,
    %swap3A_137 = arith.constant 896 : index
    %swap3A_138 = tpu.vector_load %arg5[%swap3A_137] {strides = array<i32>} : memref<1024xf32, #tpu.memory_space<vmem>>, vector<16xf32>,
    tpu.vector_store %arg5[%swap3A_137], %broadcast_in_dim3A_25 {strides = array<i32>} : memref<1024xf32, #tpu.memory_space<vmem>>, vector<16xf32>,
    %swap3A_139 = arith.constant 912 : index
    %swap3A_140 = tpu.vector_load %arg5[%swap3A_139] {strides = array<i32>} : memref<1024xf32, #tpu.memory_space<vmem>>, vector<16xf32>,
    tpu.vector_store %arg5[%swap3A_139], %broadcast_in_dim3A_25 {strides = array<i32>} : memref<1024xf32, #tpu.memory_space<vmem>>, vector<16xf32>,
    %swap3A_141 = arith.constant 928 : index
    %swap3A_142 = tpu.vector_load %arg5[%swap3A_141] {strides = array<i32>} : memref<1024xf32, #tpu.memory_space<vmem>>, vector<16xf32>,
    tpu.vector_store %arg5[%swap3A_141], %broadcast_in_dim3A_25 {strides = array<i32>} : memref<1024xf32, #tpu.memory_space<vmem>>, vector<16xf32>,
    %swap3A_143 = arith.constant 944 : index
    %swap3A_144 = tpu.vector_load %arg5[%swap3A_143] {strides = array<i32>} : memref<1024xf32, #tpu.memory_space<vmem>>, vector<16xf32>,
    tpu.vector_store %arg5[%swap3A_143], %broadcast_in_dim3A_25 {strides = array<i32>} : memref<1024xf32, #tpu.memory_space<vmem>>, vector<16xf32>,
    %swap3A_145 = arith.constant 960 : index
    %swap3A_146 = tpu.vector_load %arg5[%swap3A_145] {strides = array<i32>} : memref<1024xf32, #tpu.memory_space<vmem>>, vector<16xf32>,
    tpu.vector_store %arg5[%swap3A_145], %broadcast_in_dim3A_25 {strides = array<i32>} : memref<1024xf32, #tpu.memory_space<vmem>>, vector<16xf32>,
    %swap3A_147 = arith.constant 976 : index
    %swap3A_148 = tpu.vector_load %arg5[%swap3A_147] {strides = array<i32>} : memref<1024xf32, #tpu.memory_space<vmem>>, vector<16xf32>,
    tpu.vector_store %arg5[%swap3A_147], %broadcast_in_dim3A_25 {strides = array<i32>} : memref<1024xf32, #tpu.memory_space<vmem>>, vector<16xf32>,
    %swap3A_149 = arith.constant 992 : index
    %swap3A_150 = tpu.vector_load %arg5[%swap3A_149] {strides = array<i32>} : memref<1024xf32, #tpu.memory_space<vmem>>, vector<16xf32>,
    tpu.vector_store %arg5[%swap3A_149], %broadcast_in_dim3A_25 {strides = array<i32>} : memref<1024xf32, #tpu.memory_space<vmem>>, vector<16xf32>,
    %swap3A_151 = arith.constant 1008 : index
    %swap3A_152 = tpu.vector_load %arg5[%swap3A_151] {strides = array<i32>} : memref<1024xf32, #tpu.memory_space<vmem>>, vector<16xf32>,
    tpu.vector_store %arg5[%swap3A_151], %broadcast_in_dim3A_25 {strides = array<i32>} : memref<1024xf32, #tpu.memory_space<vmem>>, vector<16xf32>,
    %iota3A = tpu.iota {dimensions = array<i32: 0>} : vector<16xi32>
    %mul3A_153 = arith.constant 64 : i32
    %mul3A_154 = vector.broadcast %mul3A_153 : i32 to vector<16xi32>
    %mul3A_155 = arith.muli %iota3A, %mul3A_154 : vector<16xi32>
    %broadcast_in_dim3A_156 = arith.constant 1.000000e+00 : f32
    %broadcast_in_dim3A_157 = vector.broadcast %broadcast_in_dim3A_156 : f32 to vector<16xf32>
    %dma_wait3A = arith.constant 0 : i32
    %dma_wait3A_158 = tpu.memref_slice %arg4[%dma_wait3A] : memref<16384xi32, #tpu.memory_space<vmem>> -> memref<8192xi32, #tpu.memory_space<vmem>>
    %dma_wait3A_159 = arith.constant 0 : i32
    %dma_wait3A_160 = tpu.memref_slice %arg2[%add3A_1, %dma_wait3A_159] : memref<32x8192xi32, #tpu.memory_space<hbm>> -> memref<1x8192xi32, #tpu.memory_space<hbm>>
    %dma_wait3A_161 = tpu.memref_squeeze %dma_wait3A_160 : memref<1x8192xi32, #tpu.memory_space<hbm>> -> memref<8192xi32, #tpu.memory_space<hbm>>
    %dma_wait3A_162 = arith.constant 0 : i32
    %dma_wait3A_163 = tpu.memref_slice %arg4[%dma_wait3A_162] : memref<16384xi32, #tpu.memory_space<vmem>> -> memref<8192xi32, #tpu.memory_space<vmem>>
    %dma_wait3A_164 = arith.constant 0 : i32
    %dma_wait3A_165 = tpu.memref_slice %arg2[%add3A_1, %dma_wait3A_164] : memref<32x8192xi32, #tpu.memory_space<hbm>> -> memref<1x8192xi32, #tpu.memory_space<hbm>>
    %dma_wait3A_166 = tpu.memref_squeeze %dma_wait3A_165 : memref<1x8192xi32, #tpu.memory_space<hbm>> -> memref<8192xi32, #tpu.memory_space<hbm>>
    tpu.wait_dma2 semaphore(%arg6 : memref<!tpu.dma_semaphore, #tpu.memory_space<semaphore_mem>>) src(%dma_wait3A_166 : memref<8192xi32, #tpu.memory_space<hbm>>) dst(%dma_wait3A_163 : memref<8192xi32, #tpu.memory_space<vmem>>)
    %dma_wait3A_167 = arith.constant 8192 : i32
    %dma_wait3A_168 = tpu.memref_slice %arg4[%dma_wait3A_167] : memref<16384xi32, #tpu.memory_space<vmem>> -> memref<8192xi32, #tpu.memory_space<vmem>>
    %dma_wait3A_169 = arith.constant 0 : i32
    %dma_wait3A_170 = tpu.memref_slice %arg2[%add3A_14, %dma_wait3A_169] : memref<32x8192xi32, #tpu.memory_space<hbm>> -> memref<1x8192xi32, #tpu.memory_space<hbm>>
    %dma_wait3A_171 = tpu.memref_squeeze %dma_wait3A_170 : memref<1x8192xi32, #tpu.memory_space<hbm>> -> memref<8192xi32, #tpu.memory_space<hbm>>
    %dma_wait3A_172 = arith.constant 8192 : i32
    %dma_wait3A_173 = tpu.memref_slice %arg4[%dma_wait3A_172] : memref<16384xi32, #tpu.memory_space<vmem>> -> memref<8192xi32, #tpu.memory_space<vmem>>
    %dma_wait3A_174 = arith.constant 0 : i32
    %dma_wait3A_175 = tpu.memref_slice %arg2[%add3A_14, %dma_wait3A_174] : memref<32x8192xi32, #tpu.memory_space<hbm>> -> memref<1x8192xi32, #tpu.memory_space<hbm>>
    %dma_wait3A_176 = tpu.memref_squeeze %dma_wait3A_175 : memref<1x8192xi32, #tpu.memory_space<hbm>> -> memref<8192xi32, #tpu.memory_space<hbm>>
    tpu.wait_dma2 semaphore(%arg6 : memref<!tpu.dma_semaphore, #tpu.memory_space<semaphore_mem>>) src(%dma_wait3A_176 : memref<8192xi32, #tpu.memory_space<hbm>>) dst(%dma_wait3A_173 : memref<8192xi32, #tpu.memory_space<vmem>>)
    %scan3A = arith.constant 0 : i32
    %scan3A_177 = arith.constant 128 : i32
    %scan3A_178 = arith.addi %scan3A, %scan3A_177 : i32
    %scan3A_179 = arith.constant 1 : i32
    scf.for %scan3A_185 = %scan3A to %scan3A_178 step %scan3A_179  : i32 {
      %mul3A_186 = arith.constant 8 : i32
      %mul3A_187 = arith.muli %scan3A_185, %mul3A_186 : i32
      %add3A_188 = arith.constant 0 : i32
      %add3A_189 = arith.addi %add3A_188, %mul3A_187 : i32
      %add3A_190 = arith.constant 0 : i32
      %add3A_191 = arith.addi %add3A_189, %add3A_190 : i32
      %mul3A_192 = arith.constant 16 : i32
      %mul3A_193 = arith.muli %add3A_191, %mul3A_192 : i32
      %get3A = arith.index_cast %mul3A_193 : i32 to index
      %get3A_194 = tpu.vector_load %arg4[%get3A] {strides = array<i32>} : memref<16384xi32, #tpu.memory_space<vmem>>, vector<16xi32>,
      %add3A_195 = arith.addi %mul3A_155, %get3A_194 : vector<16xi32>
      tpu.vector_store_idx %arg5[%add3A_195], %broadcast_in_dim3A_157 {add = true} : memref<1024xf32, #tpu.memory_space<vmem>>[vector<16xi32>], vector<16xf32>,
      %add3A_196 = arith.constant 1 : i32
      %add3A_197 = arith.addi %add3A_189, %add3A_196 : i32
      %mul3A_198 = arith.constant 16 : i32
      %mul3A_199 = arith.muli %add3A_197, %mul3A_198 : i32
      %get3A_200 = arith.index_cast %mul3A_199 : i32 to index
      %get3A_201 = tpu.vector_load %arg4[%get3A_200] {strides = array<i32>} : memref<16384xi32, #tpu.memory_space<vmem>>, vector<16xi32>,
      %add3A_202 = arith.addi %mul3A_155, %get3A_201 : vector<16xi32>
      tpu.vector_store_idx %arg5[%add3A_202], %broadcast_in_dim3A_157 {add = true} : memref<1024xf32, #tpu.memory_space<vmem>>[vector<16xi32>], vector<16xf32>,
      %add3A_203 = arith.constant 2 : i32
      %add3A_204 = arith.addi %add3A_189, %add3A_203 : i32
      %mul3A_205 = arith.constant 16 : i32
      %mul3A_206 = arith.muli %add3A_204, %mul3A_205 : i32
      %get3A_207 = arith.index_cast %mul3A_206 : i32 to index
      %get3A_208 = tpu.vector_load %arg4[%get3A_207] {strides = array<i32>} : memref<16384xi32, #tpu.memory_space<vmem>>, vector<16xi32>,
      %add3A_209 = arith.addi %mul3A_155, %get3A_208 : vector<16xi32>
      tpu.vector_store_idx %arg5[%add3A_209], %broadcast_in_dim3A_157 {add = true} : memref<1024xf32, #tpu.memory_space<vmem>>[vector<16xi32>], vector<16xf32>,
      %add3A_210 = arith.constant 3 : i32
      %add3A_211 = arith.addi %add3A_189, %add3A_210 : i32
      %mul3A_212 = arith.constant 16 : i32
      %mul3A_213 = arith.muli %add3A_211, %mul3A_212 : i32
      %get3A_214 = arith.index_cast %mul3A_213 : i32 to index
      %get3A_215 = tpu.vector_load %arg4[%get3A_214] {strides = array<i32>} : memref<16384xi32, #tpu.memory_space<vmem>>, vector<16xi32>,
      %add3A_216 = arith.addi %mul3A_155, %get3A_215 : vector<16xi32>
      tpu.vector_store_idx %arg5[%add3A_216], %broadcast_in_dim3A_157 {add = true} : memref<1024xf32, #tpu.memory_space<vmem>>[vector<16xi32>], vector<16xf32>,
      %add3A_217 = arith.constant 4 : i32
      %add3A_218 = arith.addi %add3A_189, %add3A_217 : i32
      %mul3A_219 = arith.constant 16 : i32
      %mul3A_220 = arith.muli %add3A_218, %mul3A_219 : i32
      %get3A_221 = arith.index_cast %mul3A_220 : i32 to index
      %get3A_222 = tpu.vector_load %arg4[%get3A_221] {strides = array<i32>} : memref<16384xi32, #tpu.memory_space<vmem>>, vector<16xi32>,
      %add3A_223 = arith.addi %mul3A_155, %get3A_222 : vector<16xi32>
      tpu.vector_store_idx %arg5[%add3A_223], %broadcast_in_dim3A_157 {add = true} : memref<1024xf32, #tpu.memory_space<vmem>>[vector<16xi32>], vector<16xf32>,
      %add3A_224 = arith.constant 5 : i32
      %add3A_225 = arith.addi %add3A_189, %add3A_224 : i32
      %mul3A_226 = arith.constant 16 : i32
      %mul3A_227 = arith.muli %add3A_225, %mul3A_226 : i32
      %get3A_228 = arith.index_cast %mul3A_227 : i32 to index
      %get3A_229 = tpu.vector_load %arg4[%get3A_228] {strides = array<i32>} : memref<16384xi32, #tpu.memory_space<vmem>>, vector<16xi32>,
      %add3A_230 = arith.addi %mul3A_155, %get3A_229 : vector<16xi32>
      tpu.vector_store_idx %arg5[%add3A_230], %broadcast_in_dim3A_157 {add = true} : memref<1024xf32, #tpu.memory_space<vmem>>[vector<16xi32>], vector<16xf32>,
      %add3A_231 = arith.constant 6 : i32
      %add3A_232 = arith.addi %add3A_189, %add3A_231 : i32
      %mul3A_233 = arith.constant 16 : i32
      %mul3A_234 = arith.muli %add3A_232, %mul3A_233 : i32
      %get3A_235 = arith.index_cast %mul3A_234 : i32 to index
      %get3A_236 = tpu.vector_load %arg4[%get3A_235] {strides = array<i32>} : memref<16384xi32, #tpu.memory_space<vmem>>, vector<16xi32>,
      %add3A_237 = arith.addi %mul3A_155, %get3A_236 : vector<16xi32>
      tpu.vector_store_idx %arg5[%add3A_237], %broadcast_in_dim3A_157 {add = true} : memref<1024xf32, #tpu.memory_space<vmem>>[vector<16xi32>], vector<16xf32>,
      %add3A_238 = arith.constant 7 : i32
      %add3A_239 = arith.addi %add3A_189, %add3A_238 : i32
      %mul3A_240 = arith.constant 16 : i32
      %mul3A_241 = arith.muli %add3A_239, %mul3A_240 : i32
      %get3A_242 = arith.index_cast %mul3A_241 : i32 to index
      %get3A_243 = tpu.vector_load %arg4[%get3A_242] {strides = array<i32>} : memref<16384xi32, #tpu.memory_space<vmem>>, vector<16xi32>,
      %add3A_244 = arith.addi %mul3A_155, %get3A_243 : vector<16xi32>
      tpu.vector_store_idx %arg5[%add3A_244], %broadcast_in_dim3A_157 {add = true} : memref<1024xf32, #tpu.memory_space<vmem>>[vector<16xi32>], vector<16xf32>,
    }
    %scan3A_180 = arith.constant 128 : i32
    %mul3A_181 = arith.constant 16 : i32
    %mul3A_182 = arith.muli %arg1, %mul3A_181 : i32
    %mul3A_183 = arith.constant 64 : i32
    %mul3A_184 = arith.muli %mul3A_182, %mul3A_183 : i32
    "tpu.region"() ({
      %run_scoped3A = tpu.sem_alloc : memref<!tpu.dma_semaphore, #tpu.memory_space<semaphore_mem>>
      %dma_start3A_185 = tpu.memref_slice %arg3[%mul3A_184] : memref<16384xf32, #tpu.memory_space<hbm>> -> memref<1024xf32, #tpu.memory_space<hbm>>
      %dma_start3A_186 = tpu.memref_slice %arg3[%mul3A_184] : memref<16384xf32, #tpu.memory_space<hbm>> -> memref<1024xf32, #tpu.memory_space<hbm>>
      tpu.enqueue_dma source(%arg5 : memref<1024xf32, #tpu.memory_space<vmem>>) target(%dma_start3A_186 : memref<1024xf32, #tpu.memory_space<hbm>>) target_semaphore(%run_scoped3A : memref<!tpu.dma_semaphore, #tpu.memory_space<semaphore_mem>>)
      %dma_wait3A_187 = tpu.memref_slice %arg3[%mul3A_184] : memref<16384xf32, #tpu.memory_space<hbm>> -> memref<1024xf32, #tpu.memory_space<hbm>>
      %dma_wait3A_188 = tpu.memref_slice %arg3[%mul3A_184] : memref<16384xf32, #tpu.memory_space<hbm>> -> memref<1024xf32, #tpu.memory_space<hbm>>
      tpu.wait_dma2 semaphore(%run_scoped3A : memref<!tpu.dma_semaphore, #tpu.memory_space<semaphore_mem>>) src(%arg5 : memref<1024xf32, #tpu.memory_space<vmem>>) dst(%dma_wait3A_188 : memref<1024xf32, #tpu.memory_space<hbm>>)
      tpu.yield
    }) : () -> ()
    return
  }
}

module attributes {stable_mosaic.version = 14 : i64} {
  func.func @_combine_body(%arg0: memref<64x1xf32, #tpu.memory_space<vmem>>, %arg1: memref<128x128xf32, #tpu.memory_space<vmem>>, %arg2: memref<1xf32, #tpu.memory_space<smem>>) attributes {dimension_semantics = [], scalar_prefetch = 0 : i64, scratch_operands = 0 : i64, tpu.core_type = #tpu.core_type<tc>} {
    %get3A = arith.constant 0 : index
    %get3A_0 = arith.constant 0 : index
    %get3A_1 = vector.load %arg1[%get3A, %get3A_0] : memref<128x128xf32, #tpu.memory_space<vmem>>, vector<128x128xf32>
    %reduce_sum3A = arith.constant dense<0.000000e+00> : vector<128xf32>
    %reduce_sum3A_2 = vector.multi_reduction <add>, %get3A_1, %reduce_sum3A [0] : vector<128x128xf32> to vector<128xf32>
    %broadcast_in_dim3A = vector.shape_cast %reduce_sum3A_2 : vector<128xf32> to vector<1x128xf32>
    %slice3A = vector.extract_strided_slice %broadcast_in_dim3A {offsets = [0, 0], sizes = [1, 64], strides = [1, 1]} : vector<1x128xf32> to vector<1x64xf32>
    %slice3A_3 = vector.extract_strided_slice %broadcast_in_dim3A {offsets = [0, 64], sizes = [1, 64], strides = [1, 1]} : vector<1x128xf32> to vector<1x64xf32>
    %add3A = arith.addf %slice3A, %slice3A_3 : vector<1x64xf32>
    %get3A_4 = arith.constant 0 : index
    %get3A_5 = arith.constant 0 : index
    %get3A_6 = vector.load %arg0[%get3A_4, %get3A_5] : memref<64x1xf32, #tpu.memory_space<vmem>>, vector<64x1xf32>
    %transpose3A = tpu.transpose %get3A_6, [1, 0] : vector<64x1xf32> -> vector<1x64xf32>
    %mul3A = arith.constant 3.05175781E-5 : f32
    %mul3A_7 = vector.broadcast %mul3A : f32 to vector<1x64xf32>
    %mul3A_8 = arith.mulf %transpose3A, %mul3A_7 : vector<1x64xf32>
    %mul3A_9 = arith.constant 3.81469727E-6 : f32
    %mul3A_10 = vector.broadcast %mul3A_9 : f32 to vector<1x64xf32>
    %mul3A_11 = arith.mulf %add3A, %mul3A_10 : vector<1x64xf32>
    %mul3A_12 = arith.mulf %mul3A_11, %mul3A_8 : vector<1x64xf32>
    %reduce_sum3A_13 = vector.shape_cast %mul3A_12 : vector<1x64xf32> to vector<1x1x64xf32>
    %reduce_sum3A_14 = arith.constant dense<0.000000e+00> : vector<1xf32>
    %reduce_sum3A_15 = vector.multi_reduction <add>, %reduce_sum3A_13, %reduce_sum3A_14 [1, 2] : vector<1x1x64xf32> to vector<1xf32>
    %reduce_sum3A_16 = vector.shape_cast %reduce_sum3A_15 : vector<1xf32> to vector<1x1x1xf32>
    %reduce_sum3A_17 = vector.extract %reduce_sum3A_16[0, 0, 0] : f32 from vector<1x1x1xf32>
    %mul3A_18 = arith.constant 6.400000e-01 : f32
    %mul3A_19 = arith.mulf %mul3A_18, %reduce_sum3A_17 : f32
    %swap3A = arith.constant 0 : index
    %swap3A_20 = memref.load %arg2[%swap3A] : memref<1xf32, #tpu.memory_space<smem>>
    memref.store %mul3A_19, %arg2[%swap3A] : memref<1xf32, #tpu.memory_space<smem>>
    return
  }
}

module attributes {stable_mosaic.version = 14 : i64} {
  func.func @_softmax_body(%arg0: i32, %arg1: i32, %arg2: memref<64x4096xf32, #tpu.memory_space<vmem>>, %arg3: memref<64x1xf32, #tpu.memory_space<vmem>>, %arg4: memref<64x4096xf32, #tpu.memory_space<vmem>>) attributes {dimension_semantics = [#tpu.dimension_semantics<arbitrary>, #tpu.dimension_semantics<arbitrary>], iteration_bounds = array<i64: 4, 2>, scalar_prefetch = 0 : i64, scratch_operands = 1 : i64, tpu.core_type = #tpu.core_type<tc>, window_params = [{transform_indices = @transform_0, window_bounds = array<i64: 64, 4096>}, {pipeline_mode = #tpu.pipeline_mode<synchronous>, transform_indices = @transform_1, window_bounds = array<i64: 64, 1>}]} {
    %eq3A = arith.constant 0 : i32
    %eq3A_0 = arith.cmpi eq, %arg0, %eq3A : i32
    %eq3A_1 = arith.constant 0 : i32
    %eq3A_2 = arith.cmpi eq, %arg1, %eq3A_1 : i32
    %and3A = arith.andi %eq3A_0, %eq3A_2 : i1
    %convert_element_type3A = arith.extui %and3A : i1 to i32
    %cond3A = arith.constant 0 : i32
    %cond3A_3 = arith.cmpi ne, %convert_element_type3A, %cond3A : i32
    scf.if %cond3A_3 {
      %broadcast_in_dim3A_26 = arith.constant 0.000000e+00 : f32
      %broadcast_in_dim3A_27 = vector.broadcast %broadcast_in_dim3A_26 : f32 to vector<64x4096xf32>
      %swap3A_28 = arith.constant 0 : index
      %swap3A_29 = arith.constant 0 : index
      %swap3A_30 = vector.load %arg4[%swap3A_28, %swap3A_29] : memref<64x4096xf32, #tpu.memory_space<vmem>>, vector<64x4096xf32>
      tpu.vector_store %arg4[%swap3A_28, %swap3A_29], %broadcast_in_dim3A_27 {strides = array<i32>} : memref<64x4096xf32, #tpu.memory_space<vmem>>, vector<64x4096xf32>,
    } else {
    }
    %get3A = arith.constant 0 : index
    %get3A_4 = arith.constant 0 : index
    %get3A_5 = vector.load %arg2[%get3A, %get3A_4] : memref<64x4096xf32, #tpu.memory_space<vmem>>, vector<64x4096xf32>
    %reduce_max3A = arith.constant dense<0xFF800000> : vector<4096xf32>
    %reduce_max3A_6 = vector.multi_reduction <maximumf>, %get3A_5, %reduce_max3A [0] : vector<64x4096xf32> to vector<4096xf32>
    %broadcast_in_dim3A = vector.shape_cast %reduce_max3A_6 : vector<4096xf32> to vector<1x4096xf32>
    %sub3A = vector.broadcast %broadcast_in_dim3A : vector<1x4096xf32> to vector<64x4096xf32>
    %sub3A_7 = arith.subf %get3A_5, %sub3A : vector<64x4096xf32>
    %exp3A = math.exp %sub3A_7 : vector<64x4096xf32>
    %reduce_sum3A = arith.constant dense<0.000000e+00> : vector<4096xf32>
    %reduce_sum3A_8 = vector.multi_reduction <add>, %exp3A, %reduce_sum3A [0] : vector<64x4096xf32> to vector<4096xf32>
    %broadcast_in_dim3A_9 = vector.shape_cast %reduce_sum3A_8 : vector<4096xf32> to vector<1x4096xf32>
    %div3A = arith.constant 1.000000e+00 : f32
    %div3A_10 = vector.broadcast %div3A : f32 to vector<1x4096xf32>
    %div3A_11 = arith.divf %div3A_10, %broadcast_in_dim3A_9 : vector<1x4096xf32>
    %get3A_12 = arith.constant 0 : index
    %get3A_13 = arith.constant 0 : index
    %get3A_14 = vector.load %arg4[%get3A_12, %get3A_13] : memref<64x4096xf32, #tpu.memory_space<vmem>>, vector<64x4096xf32>
    %mul3A = vector.broadcast %div3A_11 : vector<1x4096xf32> to vector<64x4096xf32>
    %mul3A_15 = arith.mulf %exp3A, %mul3A : vector<64x4096xf32>
    %add3A = arith.addf %get3A_14, %mul3A_15 : vector<64x4096xf32>
    %swap3A = arith.constant 0 : index
    %swap3A_16 = arith.constant 0 : index
    %swap3A_17 = vector.load %arg4[%swap3A, %swap3A_16] : memref<64x4096xf32, #tpu.memory_space<vmem>>, vector<64x4096xf32>
    tpu.vector_store %arg4[%swap3A, %swap3A_16], %add3A {strides = array<i32>} : memref<64x4096xf32, #tpu.memory_space<vmem>>, vector<64x4096xf32>,
    %eq3A_18 = arith.constant 3 : i32
    %eq3A_19 = arith.cmpi eq, %arg0, %eq3A_18 : i32
    %eq3A_20 = arith.constant 1 : i32
    %eq3A_21 = arith.cmpi eq, %arg1, %eq3A_20 : i32
    %and3A_22 = arith.andi %eq3A_19, %eq3A_21 : i1
    %convert_element_type3A_23 = arith.extui %and3A_22 : i1 to i32
    %cond3A_24 = arith.constant 0 : i32
    %cond3A_25 = arith.cmpi ne, %convert_element_type3A_23, %cond3A_24 : i32
    scf.if %cond3A_25 {
      %get3A_26 = arith.constant 0 : index
      %get3A_27 = arith.constant 0 : index
      %get3A_28 = vector.load %arg4[%get3A_26, %get3A_27] : memref<64x4096xf32, #tpu.memory_space<vmem>>, vector<64x4096xf32>
      %reduce_sum3A_29 = arith.constant dense<0.000000e+00> : vector<64xf32>
      %reduce_sum3A_30 = vector.multi_reduction <add>, %get3A_28, %reduce_sum3A_29 [1] : vector<64x4096xf32> to vector<64xf32>
      %broadcast_in_dim3A_31 = vector.shape_cast %reduce_sum3A_30 : vector<64xf32> to vector<64x1xf32>
      %swap3A_32 = arith.constant 0 : index
      %swap3A_33 = arith.constant 0 : index
      %swap3A_34 = vector.load %arg3[%swap3A_32, %swap3A_33] : memref<64x1xf32, #tpu.memory_space<vmem>>, vector<64x1xf32>
      tpu.vector_store %arg3[%swap3A_32, %swap3A_33], %broadcast_in_dim3A_31 {strides = array<i32>} : memref<64x1xf32, #tpu.memory_space<vmem>>, vector<64x1xf32>,
    } else {
    }
    return
  }
  func.func @transform_0(%arg0: i32, %arg1: i32) -> (i32, i32) {
    %c0_i32 = arith.constant 0 : i32
    return %arg0, %arg1 : i32, i32
  }
  func.func @transform_1(%arg0: i32, %arg1: i32) -> (i32, i32) {
    %c0_i32 = arith.constant 0 : i32
    %c0_i32_0 = arith.constant 0 : i32
    %c0_i32_1 = arith.constant 0 : i32
    return %c0_i32, %c0_i32_0 : i32, i32
  }
}

</mosaic_0001>

<sc_bundles>
// kernel: kernel.5.cloned.1.call-start
scs
__scs_entry_jumppad:
0x0: {  	(pc) =	sbr.rel $0x88, $3  }
0x1: {  	(tag) =	ssettag $0x0;
	lr =	simm.s32 $0x1  }
0x2: {  	[smem:$0x3F9F] =	sst lr;
	_ =	strace $0xD0000000  }
0x3: {  	_ = 	snop  }
0x4: {  	_ = 	snop  }
0x5: {  	_ = 	snop  }
0x6: {  	_ = 	snop  }
0x7: {  	_ = 	snop  }
__scs_overlays_trampoline_lowered:
0x8: {  	[smem:$0x3FAE] =	sst s0  }
0x9: {  	[smem:$0x3FAF] =	sst s1  }
0xa: {  	[smem:$0x3FB0] =	sst s2  }
0xb: {  	[smem:$0x3FB1] =	sst s3  }
0xc: {  	[smem:$0x3FB2] =	sst s4  }
0xd: {  	[smem:$0x3FB3] =	sst s5  }
0xe: {  	[smem:$0x3FB4] =	sst s6  }
0xf: {  	[smem:$0x3FB5] =	sst s7  }
0x10: {  	[smem:$0x3FB6] =	sst s8  }
0x11: {  	[smem:$0x3FB7] =	sst s9;
	s0 =	simm.s32 @!p0 $0x0  }
0x12: {  	s1 =	sld [smem:$0x3F9D];
	s0 =	simm.s32 @p0 $0x1  }
0x13: {  	[smem:$0x3FB8] =	sst s0;
	s0 =	simm.s32 @!p1 $0x0  }
0x14: {  	s2 =	sld [smem:$0x3F9C];
	s0 =	simm.s32 @p1 $0x1  }
0x15: {  	[smem:$0x3FB9] =	sst s0;
	s0 =	simm.s32 @!p2 $0x0  }
0x16: {  	s3 =	sld [smem:$0x3FDB];
	s0 =	simm.s32 @p2 $0x1  }
0x17: {  	s4 =	simm.s32 $0x1BF5;
	[smem:$0x3FBB] =	sst s0  }
0x18: {  	s0 =	sld [smem:$0x3F9E];
	_ =	swait.ge [sflag:s4], $0x0  }
0x19: {  	s7 =	sld [smem:$0x3F9F]  }
0x1a: {  	s8 =	sadd.s32 $0xFFFFE003, lr  }
0x1b: {  	s9 =	sadd.s32 $0xFFFFFEF7, lr;
	s5 =	simm.s32 $0xFFFFFFFF;
	p2 =	slt.u32 s8, $0xFFFFF086  }
0x1c: {  	p1 =	slt.u32 s9, $0xF7A;
	s5 =	simm.s32 @!p2 $0x0  }
0x1d: {  	s5 =	simm.s32 @p1 $0x1;
	p0 =	seq.s32 s7, s2  }
0x1e: {  	s7 =	smul.u32 @!p0 $0xF7A, s2;
	p2 =	seq.s32 @!p0 s5, $0x0  }
0x1f: {  	s9 =	smul.u32 $0xF7A, s1;
	s8 =	simm.s32 @!p0 $0x1BF5;
	p2 =	por !p2, p0  }
0x20: {  	[sflag:s8] =	ssyncset.s32 @!p0 $0xFFFFF086;
	s6 =	sadd.s32 @!p0 s3, s7;
	s7 =	simm.s32 @!p0 $0x108  }
0x21: {  	s3 =	sadd.s32 s3, s9;
	s6 =	sadd.s32 @!p0 $0x88, s6;
	s7 =	simm.s32 @p2 $0x1082  }
0x22: {  	[simem:s7], [sflag:s8] =	dma.local @!p0 [hbm:s6], $0xF7A  }
0x23: {  	s9 =	sor.u32 $0xD0000000, s2;
	s6 =	simm.s32 $0x108;
	_ =	swait.ge @!p0 [sflag:s8], $0x0  }
0x24: {  	s3 =	sadd.s32 $0x88, s3;
	s6 =	simm.s32 @!p1 $0x1082;
	[sflag:s4] =	ssyncset.s32 $0xFFFFF086  }
0x25: {  	[simem:s6], [sflag:s4] =	dma.local [hbm:s3], $0xF7A  }
0x26: {  	[smem:$0x3F9F] =	sst s1;
	(tag) =	ssettag s2;
	_ =	strace s9  }
0x27: {  	s1 =	sld [smem:$0x3FAF]  }
0x28: {  	s2 =	sld [smem:$0x3FB0]  }
0x29: {  	s4 =	sld [smem:$0x3FB2]  }
0x2a: {  	p0 =	seq.s32 s5, $0x0;
	s5 =	sld [smem:$0x3FB3]  }
0x2b: {  	s6 =	sld [smem:$0x3FB4]  }
0x2c: {  	s7 =	sld [smem:$0x3FB5]  }
0x2d: {  	s3 =	simm.s32 $0x108;
	s8 =	sld [smem:$0x3FB6]  }
0x2e: {  	s3 =	simm.s32 @!p0 $0x1082;
	s9 =	sld [smem:$0x3FB7]  }
0x2f: {  	lr =	sadd.s32 s0, s3;
	s0 =	sld [smem:$0x3FAE]  }
0x30: {  	s3 =	sld [smem:$0x3FB1]  }
0x31: {  	[smem:$0x3FBA] =	sst s10  }
0x32: {  	s10 =	sld [smem:$0x3FB8];
	_ =	sdelay $0x3  }
0x33: {  	p0 =	seq.s32 s10, $0x1;
	s10 =	sld [smem:$0x3FBA];
	_ =	sdelay $0x3  }
0x34: {  	[smem:$0x3FBA] =	sst s10  }
0x35: {  	s10 =	sld [smem:$0x3FB9];
	_ =	sdelay $0x3  }
0x36: {  	p1 =	seq.s32 s10, $0x1;
	s10 =	sld [smem:$0x3FBA];
	_ =	sdelay $0x3  }
0x37: {  	[smem:$0x3FBA] =	sst s10  }
0x38: {  	s10 =	sld [smem:$0x3FBB]  }
0x39: {  	_ = 	snop;
	(pc) =	sbr.ind lr, $3  }
0x3a: {  	_ = 	snop  }
0x3b: {  	_ = 	snop  }
0x3c: {  	p2 =	seq.s32 s10, $0x1;
	s10 =	sld [smem:$0x3FBA]  }
0x3d: {  	_ =	shalt  }
0x3e: {  	_ =	shalt  }
0x3f: {  	_ =	shalt  }
0x40: {  	_ =	shalt  }
0x41: {  	_ =	shalt  }
0x42: {  	_ =	shalt  }
0x43: {  	_ =	shalt  }
0x44: {  	_ =	shalt  }
0x45: {  	_ =	shalt  }
0x46: {  	_ =	shalt  }
0x47: {  	_ =	shalt  }
0x48: {  	_ =	shalt  }
0x49: {  	_ =	shalt  }
0x4a: {  	_ =	shalt  }
0x4b: {  	_ =	shalt  }
0x4c: {  	_ =	shalt  }
0x4d: {  	_ =	shalt  }
0x4e: {  	_ =	shalt  }
0x4f: {  	_ =	shalt  }
0x50: {  	_ =	shalt  }
0x51: {  	_ =	shalt  }
0x52: {  	_ =	shalt  }
0x53: {  	_ =	shalt  }
0x54: {  	_ =	shalt  }
0x55: {  	_ =	shalt  }
0x56: {  	_ =	shalt  }
0x57: {  	_ =	shalt  }
0x58: {  	_ =	shalt  }
0x59: {  	_ =	shalt  }
0x5a: {  	_ =	shalt  }
0x5b: {  	_ =	shalt  }
0x5c: {  	_ =	shalt  }
0x5d: {  	_ =	shalt  }
0x5e: {  	_ =	shalt  }
0x5f: {  	_ =	shalt  }
0x60: {  	_ =	shalt  }
0x61: {  	_ =	shalt  }
0x62: {  	_ =	shalt  }
0x63: {  	_ =	shalt  }
0x64: {  	_ =	shalt  }
0x65: {  	_ =	shalt  }
0x66: {  	_ =	shalt  }
0x67: {  	_ =	shalt  }
0x68: {  	_ =	shalt  }
0x69: {  	_ =	shalt  }
0x6a: {  	_ =	shalt  }
0x6b: {  	_ =	shalt  }
0x6c: {  	_ =	shalt  }
0x6d: {  	_ =	shalt  }
0x6e: {  	_ =	shalt  }
0x6f: {  	_ =	shalt  }
0x70: {  	_ =	shalt  }
0x71: {  	_ =	shalt  }
0x72: {  	_ =	shalt  }
0x73: {  	_ =	shalt  }
0x74: {  	_ =	shalt  }
0x75: {  	_ =	shalt  }
0x76: {  	_ =	shalt  }
0x77: {  	_ =	shalt  }
0x78: {  	_ =	shalt  }
0x79: {  	_ =	shalt  }
0x7a: {  	_ =	shalt  }
0x7b: {  	_ =	shalt  }
0x7c: {  	_ =	shalt  }
0x7d: {  	_ =	shalt  }
0x7e: {  	_ =	shalt  }
0x7f: {  	_ =	shalt  }
0x80: {  	_ =	shalt  }
0x81: {  	_ =	shalt  }
0x82: {  	_ =	shalt  }
0x83: {  	_ =	shalt  }
0x84: {  	_ =	shalt  }
0x85: {  	_ =	shalt  }
0x86: {  	_ =	shalt  }
0x87: {  	_ =	shalt  }
.Lfunc_end0:
.L_simem_size_0:
called_computation_lowered:
.L_overlay_start_0:
0x88: {  	s0 =	sld [smem:$0x3FD9]  }
0x89: {  	s1 =	sld [smem:$0x3FFE];
	_ =	sdelay $0x3  }
0x8a: {  	s0 =	sadd.s32 s1, s0  }
0x8b: {  	[smem:$0x3FC6] =	sst s0  }
0x8c: {  	_ = 	snop  }
0x8d: {  	s0 =	sld [smem:$0x3FC8];
	(tm) =	ssettm $0x1  }
0x8e: {  	s16 =	sld [smem:$0x3FFB];
	_ =	sdelay $0x3  }
0x8f: {  	_ =	strace s16  }
0x90: {  	s1 =	sld [smem:$0x3FFC];
	_ =	sdelay $0x3  }
0x91: {  	_ =	strace s1  }
0x92: {  	s1 =	sld [smem:$0x3FFD];
	_ =	sdelay $0x3  }
0x93: {  	_ =	strace s1  }
0x94: {  	_ =	strace $0x8FFFFFFF  }
0x95: {  	s17 =	sld [smem:$0x3FDB];
	_ =	sdelay $0x1  }
0x96: {  	s2 =	simm.s32 $_scs_section_size  }
0x97: {  	s3 =	simm.s32 $_size__tile_overlayer_lowered;
	s4 =	simm.s32 $_tile_overlayer_lowered  }
0x98: {  	s20 =	simm.s32 $0x1BFF;
	s19 =	sshll.u32 s4, $0x1;
	s1 =	sadd.s32 s2, s17  }
0x99: {  	s5 =	simm.s32 $0x0;
	s18 =	sshll.u32 s3, $0x1;
	s3 =	sadd.s32 s19, s1  }
0x9a: {  	[timem:s5], [sflag:s20] =	dma.local [hbm:s3], s18  }
0x9b: {  	_ =	swait.ge [sflag:s20], s18  }
0x9c: {  	s2 =	ssub.s32 $0x0, s18;
	[sflag:s20] =	ssyncset.done $0x0  }
0x9d: {  	[sflag:s20] =	ssyncadd.s32 s2;
	_ =	sdelay $0x1  }
0x9e: {  	s21 =	simm.s32 $0x1B8B  }
0x9f: {  	_ =	swait.ge [sflag:s21], $0x1  }
0xa0: {  	[sflag:s21] =	ssyncset.done $0x0  }
0xa1: {  	s23 =	simm.s32 $0x1B8E;
	s22 =	sld [smem:$0x3FFE];
	[sflag:s21] =	ssyncadd.s32 $0xFFFFFFFF  }
0xa2: {  	s24 =	simm.s32 $execute0_lowered;
	[smem:$0x3FD2] =	sst s23  }
0xa3: {  	s3 =	sshll.u32 s24, $0x1;
	_ =	strace $0x80000046;
	[dreg:$0x1] =	wrdreg $0xFFFFFFFF  }
0xa4: {  	s25 =	simm.s32 $_size_execute0_lowered;
	s1 =	sadd.s32 s1, s3;
	[dreg:$0x0] =	wrdreg $0x0  }
0xa5: {  	s3 =	sshll.u32 s25, $0x1;
	[dreg:$0x2] =	wrdreg s1  }
0xa6: {  	[dreg:$0x3] =	wrdreg s3  }
0xa7: {  	[dreg:$0x4] =	wrdreg $0xC0  }
0xa8: {  	_ =	task [dreg:s5], $0x5FFFF  }
0xa9: {  	[dreg:$0x1] =	wrdreg $0xFFFFFFFF  }
0xaa: {  	[dreg:$0x0] =	wrdreg $0x60  }
0xab: {  	[dreg:$0x2] =	wrdreg s0  }
0xac: {  	[dreg:$0x3] =	wrdreg s22  }
0xad: {  	[dreg:$0x4] =	wrdreg $0x9  }
0xae: {  	_ =	task.clear_ibuf [dreg:s5], $0x5FFFF;
	_ =	strace $0x90000046  }
0xaf: {  	s26 =	simm.s32 $0x9;
	_ =	strace $0x80000048  }
0xb0: {  	_ =	swait.ge [sflag:s26], $0x1  }
0xb1: {  	[sflag:s26] =	ssyncadd.s32 $0xFFFFFFFF  }
0xb2: {  	_ =	strace $0x90000048  }
0xb3: {  	_ =	sfence  }
0xb4: {  	s28 =	sld [smem:$0x0];
	_ =	sdelay $0x1  }
0xb5: {  	s29 =	srdreg.scid  }
0xb6: {  	s30 =	sshll.u32 s29, $0xD;
	s31 =	sshrl.u32 s29, $0x2  }
0xb7: {  	s2 =	sand.u32 $0x4000, s30;
	s1 =	sand.u32 $0x1, s29;
	s0 =	sadd.s32 s31, s28  }
0xb8: {  	s1 =	sor.u32 s2, s1;
	s0 =	sshll.u32 s0, $0x11  }
0xb9: {  	s0 =	sor.u32 s0, s1  }
0xba: {  	s0 =	sadd.s32 $0x8F2B, s0  }
0xbb: {  	[sflag:s0] =	ssyncadd.remote.s32 $0x1  }
0xbc: {  	_ =	sfence.sel $0xFFFF  }
0xbd: {  	[dreg:$0x0] =	wrdreg $0xFFFFFFFF;
	(pc) =	sbr.abs _section_cstart, $3  }
0xbe: {  	[dreg:$0x1] =	wrdreg $0xFFFFFFFF  }
0xbf: {  	_ =	task.clear_ibuf [dreg:s5], $0x2FFFF;
	_ =	strace $0x9FFFFFFF  }
0xc0: {  	(tm) =	ssettm $0x7FFFFFFF  }
0xc1: {  	_ =	shalt  }
tec
execute0_lowered:
.L_overlay_start_1:
0x0: {  	(tag) =	ssettag $0x1  }
0x1: {  	s4 =	rddreg [dreg:$0x0];
	s1 =	stileid.u32  }
0x2: {  	s3 =	rddreg [dreg:$0x1];
	s5 =	sshll.u32 s1, $0xB;
	s6 =	sshll.u32 s1, $0x5  }
0x3: {  	s0 =	rddreg [dreg:$0x2];
	s2 =	simm.s32 $0x0;
	s5 =	sor.u32 s6, s5  }
0x4: {  	s29 =	simm.s32 $0x80;
	[smem:$0x7FF] =	sst s2;
	s5 =	sand.u32 $0x6060, s5  }
0x5: {  	s30 =	simm.s32 $0x400;
	_ =	strace $0x80000047;
	s4 =	sadd.s32 s4, s5  }
0x6: {  	[tilespmem:s2], [sflag:$0x1] =	stream.strided.gather [hbm4b:s4+s29], $0x2000, s30, s29, $0x38;
	[tilespmem:$0x4400] =	vst v63  }
0x7: {  	s7 =	simm.s32 $0x2000;
	s4 =	sadd.s32 $0x10, s4  }
0x8: {  	v0 =	vimm.f32 $0.0e+00;
	[tilespmem:s7], [sflag:$0x1] =	stream.strided.gather [hbm4b:s4+s29], $0x2000, s30, s29, $0x38;
	[tilespmem:$0x4400] =	vst v63  }
0x9: {  	[tilespmem:$0x4000] =	vst v0  }
0xa: {  	[tilespmem:$0x4010] =	vst v0  }
0xb: {  	[tilespmem:$0x4020] =	vst v0  }
0xc: {  	[tilespmem:$0x4030] =	vst v0  }
0xd: {  	[tilespmem:$0x4040] =	vst v0  }
0xe: {  	[tilespmem:$0x4050] =	vst v0  }
0xf: {  	[tilespmem:$0x4060] =	vst v0  }
0x10: {  	[tilespmem:$0x4070] =	vst v0  }
0x11: {  	[tilespmem:$0x4080] =	vst v0  }
0x12: {  	[tilespmem:$0x4090] =	vst v0  }
0x13: {  	[tilespmem:$0x40A0] =	vst v0  }
0x14: {  	[tilespmem:$0x40B0] =	vst v0  }
0x15: {  	[tilespmem:$0x40C0] =	vst v0  }
0x16: {  	[tilespmem:$0x40D0] =	vst v0  }
0x17: {  	[tilespmem:$0x40E0] =	vst v0  }
0x18: {  	[tilespmem:$0x40F0] =	vst v0  }
0x19: {  	[tilespmem:$0x4100] =	vst v0  }
0x1a: {  	[tilespmem:$0x4110] =	vst v0  }
0x1b: {  	[tilespmem:$0x4120] =	vst v0  }
0x1c: {  	[tilespmem:$0x4130] =	vst v0  }
0x1d: {  	[tilespmem:$0x4140] =	vst v0  }
0x1e: {  	[tilespmem:$0x4150] =	vst v0  }
0x1f: {  	[tilespmem:$0x4160] =	vst v0  }
0x20: {  	[tilespmem:$0x4170] =	vst v0  }
0x21: {  	[tilespmem:$0x4180] =	vst v0  }
0x22: {  	[tilespmem:$0x4190] =	vst v0  }
0x23: {  	[tilespmem:$0x41A0] =	vst v0  }
0x24: {  	[tilespmem:$0x41B0] =	vst v0  }
0x25: {  	[tilespmem:$0x41C0] =	vst v0  }
0x26: {  	[tilespmem:$0x41D0] =	vst v0  }
0x27: {  	[tilespmem:$0x41E0] =	vst v0  }
0x28: {  	[tilespmem:$0x41F0] =	vst v0  }
0x29: {  	[tilespmem:$0x4200] =	vst v0  }
0x2a: {  	[tilespmem:$0x4210] =	vst v0  }
0x2b: {  	[tilespmem:$0x4220] =	vst v0  }
0x2c: {  	[tilespmem:$0x4230] =	vst v0  }
0x2d: {  	[tilespmem:$0x4240] =	vst v0  }
0x2e: {  	[tilespmem:$0x4250] =	vst v0  }
0x2f: {  	[tilespmem:$0x4260] =	vst v0  }
0x30: {  	[tilespmem:$0x4270] =	vst v0  }
0x31: {  	[tilespmem:$0x4280] =	vst v0  }
0x32: {  	[tilespmem:$0x4290] =	vst v0  }
0x33: {  	[tilespmem:$0x42A0] =	vst v0  }
0x34: {  	[tilespmem:$0x42B0] =	vst v0  }
0x35: {  	[tilespmem:$0x42C0] =	vst v0  }
0x36: {  	[tilespmem:$0x42D0] =	vst v0  }
0x37: {  	[tilespmem:$0x42E0] =	vst v0  }
0x38: {  	[tilespmem:$0x42F0] =	vst v0  }
0x39: {  	[tilespmem:$0x4300] =	vst v0  }
0x3a: {  	[tilespmem:$0x4310] =	vst v0  }
0x3b: {  	[tilespmem:$0x4320] =	vst v0  }
0x3c: {  	[tilespmem:$0x4330] =	vst v0  }
0x3d: {  	[tilespmem:$0x4340] =	vst v0  }
0x3e: {  	[tilespmem:$0x4350] =	vst v0  }
0x3f: {  	[tilespmem:$0x4360] =	vst v0  }
0x40: {  	[tilespmem:$0x4370] =	vst v0  }
0x41: {  	[tilespmem:$0x4380] =	vst v0  }
0x42: {  	[tilespmem:$0x4390] =	vst v0  }
0x43: {  	[tilespmem:$0x43A0] =	vst v0  }
0x44: {  	[tilespmem:$0x43B0] =	vst v0  }
0x45: {  	[tilespmem:$0x43C0] =	vst v0  }
0x46: {  	[tilespmem:$0x43D0] =	vst v0  }
0x47: {  	[tilespmem:$0x43E0] =	vst v0  }
0x48: {  	s31 =	simm.s32 $0x1;
	[tilespmem:$0x43F0] =	vst v0  }
0x49: {  	_ =	swait.ge [sflag:s31], $0x2000  }
0x4a: {  	[sflag:s31] =	ssyncset.done $0x0  }
0x4b: {  	[sflag:s31] =	ssyncadd.s32 $0xFFFFE000  }
0x4c: {  	_ =	swait.ge [sflag:s31], $0x2000  }
0x4d: {  	v0 =	vlaneseq.u32;
	[sflag:s31] =	ssyncset.done $0x0  }
0x4e: {  	v1 =	vimm.f32 $1.000000000e+00;
	s3 =	sadd.s32 $0x800, s3;
	s4 =	simm.s32 $0x4000;
	v0 =	vmul.u32 $0x40, v0;
	[sflag:s31] =	ssyncadd.s32 $0xFFFFE000  }
.LBB2_1:
0x4f: {  	s5 =	sshra.s32 s2, $0x2  }
0x50: {  	v2 =	vld [tilespmem:s5+$0x0];
	_ =	sdelay $0x4  }
0x51: {  	v2 =	vadd.s32 v0, v2;
	_ =	sdelay $0x4  }
0x52: {  	[tilespmem:v2+s4+$0x0] =	vst.idx.add.f32.msk $0xffff, v1  }
0x53: {  	v2 =	vld [tilespmem:s5+$0x10];
	_ =	sdelay $0x4  }
0x54: {  	v2 =	vadd.s32 v0, v2;
	_ =	sdelay $0x4  }
0x55: {  	[tilespmem:v2+s4+$0x0] =	vst.idx.add.f32.msk $0xffff, v1  }
0x56: {  	v2 =	vld [tilespmem:s5+$0x20];
	_ =	sdelay $0x4  }
0x57: {  	v2 =	vadd.s32 v0, v2;
	_ =	sdelay $0x4  }
0x58: {  	[tilespmem:v2+s4+$0x0] =	vst.idx.add.f32.msk $0xffff, v1  }
0x59: {  	v2 =	vld [tilespmem:s5+$0x30];
	_ =	sdelay $0x4  }
0x5a: {  	v2 =	vadd.s32 v0, v2;
	_ =	sdelay $0x4  }
0x5b: {  	[tilespmem:v2+s4+$0x0] =	vst.idx.add.f32.msk $0xffff, v1  }
0x5c: {  	v2 =	vld [tilespmem:s5+$0x40];
	_ =	sdelay $0x4  }
0x5d: {  	v2 =	vadd.s32 v0, v2;
	_ =	sdelay $0x4  }
0x5e: {  	[tilespmem:v2+s4+$0x0] =	vst.idx.add.f32.msk $0xffff, v1  }
0x5f: {  	v2 =	vld [tilespmem:s5+$0x50];
	_ =	sdelay $0x4  }
0x60: {  	v2 =	vadd.s32 v0, v2;
	_ =	sdelay $0x4  }
0x61: {  	[tilespmem:v2+s4+$0x0] =	vst.idx.add.f32.msk $0xffff, v1  }
0x62: {  	v2 =	vld [tilespmem:s5+$0x60];
	_ =	sdelay $0x4  }
0x63: {  	v2 =	vadd.s32 v0, v2;
	_ =	sdelay $0x4  }
0x64: {  	[tilespmem:v2+s4+$0x0] =	vst.idx.add.f32.msk $0xffff, v1  }
0x65: {  	v2 =	vld [tilespmem:s5+$0x70];
	_ =	sdelay $0x4  }
0x66: {  	p0 =	sne.s32 s2, $0xFE00;
	v2 =	vadd.s32 v0, v2  }
.Ltmp0:
0x67: {  	_ = 	snop;
	(pc) =	sbr.rel @p0 .LBB2_1-.Ltmp0, $2  }
0x68: {  	_ =	sdelay $0x2  }
0x69: {  	s2 =	sadd.s32 $0x200, s2;
	[tilespmem:v2+s4+$0x0] =	vst.idx.add.f32.msk $0xffff, v1  }
0x6a: {  	s2 =	sshll.u32 s1, $0x7;
	s30 =	simm.s32 $0x0  }
0x6b: {  	s4 =	simm.s32 $0x4000;
	s31 =	simm.s32 $0x2;
	s2 =	sadd.s32 s3, s2  }
0x6c: {  	[hbm4b:s2+s30] =	stream.linear.scatter [tilespmem:s4], [sflag:$0x2], $0x400, $0x38;
	[tilespmem:$0x4400] =	vst v63  }
0x6d: {  	_ =	swait.ge [sflag:s31], $0x400  }
0x6e: {  	[sflag:s31] =	ssyncset.done $0x0  }
0x6f: {  	[sflag:s31] =	ssyncadd.s32 $0xFFFFFC00  }
0x70: {  	_ =	sfence.sel $0x180000  }
0x71: {  	[bflag:$0x0] =	sbarrier.arrive $0xFFFF  }
0x72: {  	p0 =	sne.s32 s1, $0x0;
	_ =	strace $0x90000047  }
0x73: {  	s0 =	sadd.s32 @!p0 $0x100000, s0;
	[bflag:$0x2] =	sbarrier.arrive $0xFFFF  }
0x74: {  	[sflag:s0] =	ssyncadd.tile.s32 @!p0 $0x1;
	_ =	shalt  }
.Lfunc_end2:
_tile_overlayer_lowered:
.L_overlay_start_2:
0x75: {  	(tag) =	ssettag $0x2  }
0x76: {  	s0 =	rddreg [dreg:$0x0];
	s2 =	stileid.u32  }
0x77: {  	s1 =	rddreg [dreg:$0x1];
	p0 =	sne.s32 s2, $0x0  }
0x78: {  	s3 =	rddreg [dreg:$0x2];
	[bflag:$0x3] =	sbarrier.arrive $0xFFFF;
	s2 =	simm.s32 @!p0 $0x1C02  }
0x79: {  	[timem:s3], [sflag:s2] =	dma.local @!p0 [hbm:s0], s1  }
0x7a: {  	s0 =	simm.s32 @!p0 $0x2  }
0x7b: {  	_ =	swait.ge @!p0 [sflag:s0], s1  }
0x7c: {  	s1 =	ssub.s32 @!p0 $0x0, s1;
	[sflag:s0] =	ssyncset.done @!p0 $0x0  }
0x7d: {  	[sflag:s0] =	ssyncadd.s32 @!p0 s1  }
0x7e: {  	[bflag:$0x3] =	sbarrier.arrive $0xFFFF  }
0x7f: {  	_ =	shalt  }

</sc_bundles>
